<compile_context>
chip_gen: v7x
topology: tpu7x:2x2x1
jax: 0.10.2.dev20260603
libtpu: 0.0.44.dev20260713+nightly
codegen_flags: <defaults>
</compile_context>

<pallas_src>
import functools

import jax
import jax.numpy as jnp
from jax import lax
from jax.experimental import pallas as pl
from jax.experimental.pallas import tpu as pltpu
from jax.experimental.pallas import tpu_sc as plsc

_B, _S, _HID = 4, 4096, 1024
_N = _B * _S

_info = plsc.get_sparse_core_info()
_NC, _NS = _info.num_cores, _info.num_subcores
_NW = _NC * _NS
_POS_PER_W = _S // _NW
_PC = 16
_NPC = _POS_PER_W // _PC
_NCHUNK = _NPC * _B
_RING = 6


def _sc_body(ids_hbm, wte_hbm, wpe_hbm, out_hbm, idx_all, wpe_v, rows,
             sem_g, sem_o, sem_w):
    wid = lax.axis_index("s") * _NC + lax.axis_index("c")
    p0 = wid * _POS_PER_W

    def idx_slice(k):
        return idx_all.at[pl.ds(lax.rem(k, _B) * _POS_PER_W
                                + (k // _B) * _PC, _PC)]

    def row_slot(k):
        return rows.at[pl.ds(lax.rem(k, _RING) * _PC, _PC)]

    def out_slice(k):
        return out_hbm.at[pl.ds(lax.rem(k, _B) * _S + p0 + (k // _B) * _PC, _PC)]

    def start_gather(k):
        pltpu.async_copy(wte_hbm.at[idx_slice(k)], row_slot(k), sem_g)

    def start_wpe(pc):
        pltpu.async_copy(wpe_hbm.at[pl.ds(p0 + pc * _PC, _PC)], wpe_v, sem_w)

    def wait(sem, dst):
        pltpu.make_async_copy(wte_hbm.at[pl.ds(0, _PC)], dst, sem).wait()

    for b in range(_B):
        pltpu.sync_copy(ids_hbm.at[pl.ds(b * _S + p0, _POS_PER_W)],
                        idx_all.at[pl.ds(b * _POS_PER_W, _POS_PER_W)])

    for k in range(_RING - 1):
        start_gather(k)

    def body(k, _):
        base = lax.rem(k, _RING) * _PC

        wait(sem_g, row_slot(k))

        pltpu.async_copy(row_slot(k), out_slice(k), sem_o)

        @pl.when(k >= 1)
        def _():
            pltpu.make_async_copy(row_slot(k), out_slice(k - 1), sem_o).wait()

        @pl.when(k + _RING - 1 < _NCHUNK)
        def _():
            start_gather(k + _RING - 1)

        return ()

    lax.fori_loop(0, _NCHUNK, body, (), unroll=False)
    pltpu.make_async_copy(row_slot(0), out_slice(_NCHUNK - 1), sem_o).wait()


@jax.jit
def _embed(ids_flat, wte, wpe):
    mesh = plsc.VectorSubcoreMesh(core_axis_name="c", subcore_axis_name="s")
    return pl.kernel(
        _sc_body,
        out_type=jax.ShapeDtypeStruct((_N, _HID), jnp.float32),
        mesh=mesh,
        scratch_types=[
            pltpu.VMEM((_B * _POS_PER_W,), jnp.int32),
            pltpu.VMEM((_PC, _HID), jnp.float32),
            pltpu.VMEM((_RING * _PC, _HID), jnp.float32),
            pltpu.SemaphoreType.DMA,
            pltpu.SemaphoreType.DMA,
            pltpu.SemaphoreType.DMA,
        ],
    )(ids_flat, wte, wpe)


def kernel(input_ids, wte, wpe):
    ids_flat = input_ids.reshape(_N).astype(jnp.int32)
    out = _embed(ids_flat, wte, wpe)
    return out.reshape(_B, _S, _HID)

# --- scband reference (transcript-rebuilt; emitter-appended) ---
"""Pipeline reference for scband-parallel-vocab-position-embedding-35270271435694 (READ-ONLY COPY).

The authoritative reference and input builder live on the scoring server;
editing this copy changes nothing except your own understanding.
"""

import jax, jax.numpy as jnp
import numpy as np

VOCAB = 100000
HID = 1024
NPOS = 8192
B, S = 4, 4096

def setup_inputs(seed: int = 0) -> dict:
    key = jax.random.key(seed)
    k1, k2, k3 = jax.random.split(key, 3)
    input_ids = jax.random.randint(k1, (B, S), 0, VOCAB, dtype=jnp.int64 if jax.config.jax_enable_x64 else jnp.int32)
    wte = jax.random.normal(k2, (VOCAB, HID), dtype=jnp.float32) * 0.02
    wpe = jax.random.normal(k3, (NPOS, HID), dtype=jnp.float32) * 0.02
    return {"input_ids": input_ids, "wte": wte, "wpe": wpe}

def reference(input_ids, wte, wpe):
    # Non-packed, no cache, no attention_mask path:
    # position_ids = arange(seq_len) repeated per batch row
    batch_size, input_length = input_ids.shape
    position_ids = jnp.broadcast_to(jnp.arange(input_length, dtype=jnp.int32)[None, :], (batch_size, input_length))
    inputs_embeds = jnp.take(wte, input_ids, axis=0)          # token embedding lookup (gather)
    pos_embeds = jnp.take(wpe, position_ids, axis=0)          # absolute position embedding lookup
    inputs_embeds = inputs_embeds + pos_embeds
    # embd_pdrop = 0.0 -> dropout is identity in eval/zero-prob
    return inputs_embeds

if __name__ == "__main__":
    import jax
    _d = setup_inputs()
    print(jax.jit(kernel)(*tuple(_d.values())))

</pallas_src>

<mosaic_0001>
#map = affine_map<(d0, d1) -> (0)>
#map1 = affine_map<(d0, d1) -> (0, 0)>
module attributes {stable_mosaic.version = 14 : i64} {
  func.func @_sc_body(%arg0: i32, %arg1: i32, %arg2: memref<16384xi32, #tpu.memory_space<hbm>>, %arg3: memref<100000x1024xf32, #tpu.memory_space<hbm>>, %arg4: memref<8192x1024xf32, #tpu.memory_space<hbm>>, %arg5: memref<16384x1024xf32, #tpu.memory_space<hbm>>, %arg6: memref<512xi32, #tpu.memory_space<vmem>>, %arg7: memref<16x1024xf32, #tpu.memory_space<vmem>>, %arg8: memref<96x1024xf32, #tpu.memory_space<vmem>>, %arg9: memref<!tpu.dma_semaphore, #tpu.memory_space<semaphore_mem>>, %arg10: memref<!tpu.dma_semaphore, #tpu.memory_space<semaphore_mem>>, %arg11: memref<!tpu.dma_semaphore, #tpu.memory_space<semaphore_mem>>) attributes {dimension_semantics = [#tpu.dimension_semantics<core_parallel>, #tpu.dimension_semantics<subcore_parallel>], iteration_bounds = array<i64: 2, 16>, scalar_prefetch = 0 : i64, scratch_operands = 6 : i64, tpu.core_type = #tpu.core_type<sc_vector_subcore>, window_params = [{transform_indices = #map}, {transform_indices = #map1}, {transform_indices = #map1}, {transform_indices = #map1}]} {
    %mul3A = arith.constant 2 : i32
    %mul3A_0 = arith.muli %arg1, %mul3A : i32
    %add3A = arith.addi %mul3A_0, %arg0 : i32
    %mul3A_1 = arith.constant 128 : i32
    %mul3A_2 = arith.muli %add3A, %mul3A_1 : i32
    %add3A_3 = arith.constant 0 : i32
    %add3A_4 = arith.addi %add3A_3, %mul3A_2 : i32
    "tpu.region"() ({
      %run_scoped3A = tpu.sem_alloc : memref<!tpu.dma_semaphore, #tpu.memory_space<semaphore_mem>>
      %dma_start3A_123 = arith.constant 0 : i32
      %dma_start3A_124 = tpu.memref_slice %arg6[%dma_start3A_123] : memref<512xi32, #tpu.memory_space<vmem>> -> memref<128xi32, #tpu.memory_space<vmem>>
      %dma_start3A_125 = tpu.memref_slice %arg2[%add3A_4] : memref<16384xi32, #tpu.memory_space<hbm>> -> memref<128xi32, #tpu.memory_space<hbm>>
      %dma_start3A_126 = arith.constant 0 : i32
      %dma_start3A_127 = tpu.memref_slice %arg6[%dma_start3A_126] : memref<512xi32, #tpu.memory_space<vmem>> -> memref<128xi32, #tpu.memory_space<vmem>>
      %dma_start3A_128 = tpu.memref_slice %arg2[%add3A_4] : memref<16384xi32, #tpu.memory_space<hbm>> -> memref<128xi32, #tpu.memory_space<hbm>>
      tpu.enqueue_dma source(%dma_start3A_128 : memref<128xi32, #tpu.memory_space<hbm>>) target(%dma_start3A_127 : memref<128xi32, #tpu.memory_space<vmem>>) target_semaphore(%run_scoped3A : memref<!tpu.dma_semaphore, #tpu.memory_space<semaphore_mem>>)
      %dma_wait3A_129 = arith.constant 0 : i32
      %dma_wait3A_130 = tpu.memref_slice %arg6[%dma_wait3A_129] : memref<512xi32, #tpu.memory_space<vmem>> -> memref<128xi32, #tpu.memory_space<vmem>>
      %dma_wait3A_131 = tpu.memref_slice %arg2[%add3A_4] : memref<16384xi32, #tpu.memory_space<hbm>> -> memref<128xi32, #tpu.memory_space<hbm>>
      %dma_wait3A_132 = arith.constant 0 : i32
      %dma_wait3A_133 = tpu.memref_slice %arg6[%dma_wait3A_132] : memref<512xi32, #tpu.memory_space<vmem>> -> memref<128xi32, #tpu.memory_space<vmem>>
      %dma_wait3A_134 = tpu.memref_slice %arg2[%add3A_4] : memref<16384xi32, #tpu.memory_space<hbm>> -> memref<128xi32, #tpu.memory_space<hbm>>
      tpu.wait_dma2 semaphore(%run_scoped3A : memref<!tpu.dma_semaphore, #tpu.memory_space<semaphore_mem>>) src(%dma_wait3A_134 : memref<128xi32, #tpu.memory_space<hbm>>) dst(%dma_wait3A_133 : memref<128xi32, #tpu.memory_space<vmem>>)
      tpu.yield
    }) : () -> ()
    %add3A_5 = arith.constant 4096 : i32
    %add3A_6 = arith.addi %add3A_5, %mul3A_2 : i32
    "tpu.region"() ({
      %run_scoped3A = tpu.sem_alloc : memref<!tpu.dma_semaphore, #tpu.memory_space<semaphore_mem>>
      %dma_start3A_123 = arith.constant 128 : i32
      %dma_start3A_124 = tpu.memref_slice %arg6[%dma_start3A_123] : memref<512xi32, #tpu.memory_space<vmem>> -> memref<128xi32, #tpu.memory_space<vmem>>
      %dma_start3A_125 = tpu.memref_slice %arg2[%add3A_6] : memref<16384xi32, #tpu.memory_space<hbm>> -> memref<128xi32, #tpu.memory_space<hbm>>
      %dma_start3A_126 = arith.constant 128 : i32
      %dma_start3A_127 = tpu.memref_slice %arg6[%dma_start3A_126] : memref<512xi32, #tpu.memory_space<vmem>> -> memref<128xi32, #tpu.memory_space<vmem>>
      %dma_start3A_128 = tpu.memref_slice %arg2[%add3A_6] : memref<16384xi32, #tpu.memory_space<hbm>> -> memref<128xi32, #tpu.memory_space<hbm>>
      tpu.enqueue_dma source(%dma_start3A_128 : memref<128xi32, #tpu.memory_space<hbm>>) target(%dma_start3A_127 : memref<128xi32, #tpu.memory_space<vmem>>) target_semaphore(%run_scoped3A : memref<!tpu.dma_semaphore, #tpu.memory_space<semaphore_mem>>)
      %dma_wait3A_129 = arith.constant 128 : i32
      %dma_wait3A_130 = tpu.memref_slice %arg6[%dma_wait3A_129] : memref<512xi32, #tpu.memory_space<vmem>> -> memref<128xi32, #tpu.memory_space<vmem>>
      %dma_wait3A_131 = tpu.memref_slice %arg2[%add3A_6] : memref<16384xi32, #tpu.memory_space<hbm>> -> memref<128xi32, #tpu.memory_space<hbm>>
      %dma_wait3A_132 = arith.constant 128 : i32
      %dma_wait3A_133 = tpu.memref_slice %arg6[%dma_wait3A_132] : memref<512xi32, #tpu.memory_space<vmem>> -> memref<128xi32, #tpu.memory_space<vmem>>
      %dma_wait3A_134 = tpu.memref_slice %arg2[%add3A_6] : memref<16384xi32, #tpu.memory_space<hbm>> -> memref<128xi32, #tpu.memory_space<hbm>>
      tpu.wait_dma2 semaphore(%run_scoped3A : memref<!tpu.dma_semaphore, #tpu.memory_space<semaphore_mem>>) src(%dma_wait3A_134 : memref<128xi32, #tpu.memory_space<hbm>>) dst(%dma_wait3A_133 : memref<128xi32, #tpu.memory_space<vmem>>)
      tpu.yield
    }) : () -> ()
    %add3A_7 = arith.constant 8192 : i32
    %add3A_8 = arith.addi %add3A_7, %mul3A_2 : i32
    "tpu.region"() ({
      %run_scoped3A = tpu.sem_alloc : memref<!tpu.dma_semaphore, #tpu.memory_space<semaphore_mem>>
      %dma_start3A_123 = arith.constant 256 : i32
      %dma_start3A_124 = tpu.memref_slice %arg6[%dma_start3A_123] : memref<512xi32, #tpu.memory_space<vmem>> -> memref<128xi32, #tpu.memory_space<vmem>>
      %dma_start3A_125 = tpu.memref_slice %arg2[%add3A_8] : memref<16384xi32, #tpu.memory_space<hbm>> -> memref<128xi32, #tpu.memory_space<hbm>>
      %dma_start3A_126 = arith.constant 256 : i32
      %dma_start3A_127 = tpu.memref_slice %arg6[%dma_start3A_126] : memref<512xi32, #tpu.memory_space<vmem>> -> memref<128xi32, #tpu.memory_space<vmem>>
      %dma_start3A_128 = tpu.memref_slice %arg2[%add3A_8] : memref<16384xi32, #tpu.memory_space<hbm>> -> memref<128xi32, #tpu.memory_space<hbm>>
      tpu.enqueue_dma source(%dma_start3A_128 : memref<128xi32, #tpu.memory_space<hbm>>) target(%dma_start3A_127 : memref<128xi32, #tpu.memory_space<vmem>>) target_semaphore(%run_scoped3A : memref<!tpu.dma_semaphore, #tpu.memory_space<semaphore_mem>>)
      %dma_wait3A_129 = arith.constant 256 : i32
      %dma_wait3A_130 = tpu.memref_slice %arg6[%dma_wait3A_129] : memref<512xi32, #tpu.memory_space<vmem>> -> memref<128xi32, #tpu.memory_space<vmem>>
      %dma_wait3A_131 = tpu.memref_slice %arg2[%add3A_8] : memref<16384xi32, #tpu.memory_space<hbm>> -> memref<128xi32, #tpu.memory_space<hbm>>
      %dma_wait3A_132 = arith.constant 256 : i32
      %dma_wait3A_133 = tpu.memref_slice %arg6[%dma_wait3A_132] : memref<512xi32, #tpu.memory_space<vmem>> -> memref<128xi32, #tpu.memory_space<vmem>>
      %dma_wait3A_134 = tpu.memref_slice %arg2[%add3A_8] : memref<16384xi32, #tpu.memory_space<hbm>> -> memref<128xi32, #tpu.memory_space<hbm>>
      tpu.wait_dma2 semaphore(%run_scoped3A : memref<!tpu.dma_semaphore, #tpu.memory_space<semaphore_mem>>) src(%dma_wait3A_134 : memref<128xi32, #tpu.memory_space<hbm>>) dst(%dma_wait3A_133 : memref<128xi32, #tpu.memory_space<vmem>>)
      tpu.yield
    }) : () -> ()
    %add3A_9 = arith.constant 12288 : i32
    %add3A_10 = arith.addi %add3A_9, %mul3A_2 : i32
    "tpu.region"() ({
      %run_scoped3A = tpu.sem_alloc : memref<!tpu.dma_semaphore, #tpu.memory_space<semaphore_mem>>
      %dma_start3A_123 = arith.constant 384 : i32
      %dma_start3A_124 = tpu.memref_slice %arg6[%dma_start3A_123] : memref<512xi32, #tpu.memory_space<vmem>> -> memref<128xi32, #tpu.memory_space<vmem>>
      %dma_start3A_125 = tpu.memref_slice %arg2[%add3A_10] : memref<16384xi32, #tpu.memory_space<hbm>> -> memref<128xi32, #tpu.memory_space<hbm>>
      %dma_start3A_126 = arith.constant 384 : i32
      %dma_start3A_127 = tpu.memref_slice %arg6[%dma_start3A_126] : memref<512xi32, #tpu.memory_space<vmem>> -> memref<128xi32, #tpu.memory_space<vmem>>
      %dma_start3A_128 = tpu.memref_slice %arg2[%add3A_10] : memref<16384xi32, #tpu.memory_space<hbm>> -> memref<128xi32, #tpu.memory_space<hbm>>
      tpu.enqueue_dma source(%dma_start3A_128 : memref<128xi32, #tpu.memory_space<hbm>>) target(%dma_start3A_127 : memref<128xi32, #tpu.memory_space<vmem>>) target_semaphore(%run_scoped3A : memref<!tpu.dma_semaphore, #tpu.memory_space<semaphore_mem>>)
      %dma_wait3A_129 = arith.constant 384 : i32
      %dma_wait3A_130 = tpu.memref_slice %arg6[%dma_wait3A_129] : memref<512xi32, #tpu.memory_space<vmem>> -> memref<128xi32, #tpu.memory_space<vmem>>
      %dma_wait3A_131 = tpu.memref_slice %arg2[%add3A_10] : memref<16384xi32, #tpu.memory_space<hbm>> -> memref<128xi32, #tpu.memory_space<hbm>>
      %dma_wait3A_132 = arith.constant 384 : i32
      %dma_wait3A_133 = tpu.memref_slice %arg6[%dma_wait3A_132] : memref<512xi32, #tpu.memory_space<vmem>> -> memref<128xi32, #tpu.memory_space<vmem>>
      %dma_wait3A_134 = tpu.memref_slice %arg2[%add3A_10] : memref<16384xi32, #tpu.memory_space<hbm>> -> memref<128xi32, #tpu.memory_space<hbm>>
      tpu.wait_dma2 semaphore(%run_scoped3A : memref<!tpu.dma_semaphore, #tpu.memory_space<semaphore_mem>>) src(%dma_wait3A_134 : memref<128xi32, #tpu.memory_space<hbm>>) dst(%dma_wait3A_133 : memref<128xi32, #tpu.memory_space<vmem>>)
      tpu.yield
    }) : () -> ()
    %rem3A = arith.constant 0 : i32
    %rem3A_11 = arith.constant 4 : i32
    %rem3A_12 = arith.remsi %rem3A, %rem3A_11 : i32
    %mul3A_13 = arith.constant 128 : i32
    %mul3A_14 = arith.muli %rem3A_12, %mul3A_13 : i32
    %add3A_15 = arith.constant 0 : i32
    %add3A_16 = arith.addi %mul3A_14, %add3A_15 : i32
    %rem3A_17 = arith.constant 0 : i32
    %rem3A_18 = arith.constant 6 : i32
    %rem3A_19 = arith.remsi %rem3A_17, %rem3A_18 : i32
    %mul3A_20 = arith.constant 16 : i32
    %mul3A_21 = arith.muli %rem3A_19, %mul3A_20 : i32
    %dma_start3A = arith.constant 0 : i32
    %dma_start3A_22 = tpu.memref_slice %arg8[%mul3A_21, %dma_start3A] : memref<96x1024xf32, #tpu.memory_space<vmem>> -> memref<16x1024xf32, #tpu.memory_space<vmem>>
    %dma_start3A_23 = tpu.memref_slice %arg6[%add3A_16] : memref<512xi32, #tpu.memory_space<vmem>> -> memref<16xi32, #tpu.memory_space<vmem>>
    %dma_start3A_24 = arith.constant 0 : i32
    %dma_start3A_25 = arith.constant 0 : i32
    %dma_start3A_26 = tpu.memref_slice %arg3[%dma_start3A_24, %dma_start3A_25] : memref<100000x1024xf32, #tpu.memory_space<hbm>> -> memref<100000x1024xf32, #tpu.memory_space<hbm>>
    tpu.enqueue_indirect_dma source(%dma_start3A_26 : memref<100000x1024xf32, #tpu.memory_space<hbm>>) target(%dma_start3A_22 : memref<16x1024xf32, #tpu.memory_space<vmem>>) offsets(%dma_start3A_23 : memref<16xi32, #tpu.memory_space<vmem>>) semaphore(%arg9 : memref<!tpu.dma_semaphore, #tpu.memory_space<semaphore_mem>>)
    %rem3A_27 = arith.constant 1 : i32
    %rem3A_28 = arith.constant 4 : i32
    %rem3A_29 = arith.remsi %rem3A_27, %rem3A_28 : i32
    %mul3A_30 = arith.constant 128 : i32
    %mul3A_31 = arith.muli %rem3A_29, %mul3A_30 : i32
    %add3A_32 = arith.constant 0 : i32
    %add3A_33 = arith.addi %mul3A_31, %add3A_32 : i32
    %rem3A_34 = arith.constant 1 : i32
    %rem3A_35 = arith.constant 6 : i32
    %rem3A_36 = arith.remsi %rem3A_34, %rem3A_35 : i32
    %mul3A_37 = arith.constant 16 : i32
    %mul3A_38 = arith.muli %rem3A_36, %mul3A_37 : i32
    %dma_start3A_39 = arith.constant 0 : i32
    %dma_start3A_40 = tpu.memref_slice %arg8[%mul3A_38, %dma_start3A_39] : memref<96x1024xf32, #tpu.memory_space<vmem>> -> memref<16x1024xf32, #tpu.memory_space<vmem>>
    %dma_start3A_41 = tpu.memref_slice %arg6[%add3A_33] : memref<512xi32, #tpu.memory_space<vmem>> -> memref<16xi32, #tpu.memory_space<vmem>>
    %dma_start3A_42 = arith.constant 0 : i32
    %dma_start3A_43 = arith.constant 0 : i32
    %dma_start3A_44 = tpu.memref_slice %arg3[%dma_start3A_42, %dma_start3A_43] : memref<100000x1024xf32, #tpu.memory_space<hbm>> -> memref<100000x1024xf32, #tpu.memory_space<hbm>>
    tpu.enqueue_indirect_dma source(%dma_start3A_44 : memref<100000x1024xf32, #tpu.memory_space<hbm>>) target(%dma_start3A_40 : memref<16x1024xf32, #tpu.memory_space<vmem>>) offsets(%dma_start3A_41 : memref<16xi32, #tpu.memory_space<vmem>>) semaphore(%arg9 : memref<!tpu.dma_semaphore, #tpu.memory_space<semaphore_mem>>)
    %rem3A_45 = arith.constant 2 : i32
    %rem3A_46 = arith.constant 4 : i32
    %rem3A_47 = arith.remsi %rem3A_45, %rem3A_46 : i32
    %mul3A_48 = arith.constant 128 : i32
    %mul3A_49 = arith.muli %rem3A_47, %mul3A_48 : i32
    %add3A_50 = arith.constant 0 : i32
    %add3A_51 = arith.addi %mul3A_49, %add3A_50 : i32
    %rem3A_52 = arith.constant 2 : i32
    %rem3A_53 = arith.constant 6 : i32
    %rem3A_54 = arith.remsi %rem3A_52, %rem3A_53 : i32
    %mul3A_55 = arith.constant 16 : i32
    %mul3A_56 = arith.muli %rem3A_54, %mul3A_55 : i32
    %dma_start3A_57 = arith.constant 0 : i32
    %dma_start3A_58 = tpu.memref_slice %arg8[%mul3A_56, %dma_start3A_57] : memref<96x1024xf32, #tpu.memory_space<vmem>> -> memref<16x1024xf32, #tpu.memory_space<vmem>>
    %dma_start3A_59 = tpu.memref_slice %arg6[%add3A_51] : memref<512xi32, #tpu.memory_space<vmem>> -> memref<16xi32, #tpu.memory_space<vmem>>
    %dma_start3A_60 = arith.constant 0 : i32
    %dma_start3A_61 = arith.constant 0 : i32
    %dma_start3A_62 = tpu.memref_slice %arg3[%dma_start3A_60, %dma_start3A_61] : memref<100000x1024xf32, #tpu.memory_space<hbm>> -> memref<100000x1024xf32, #tpu.memory_space<hbm>>
    tpu.enqueue_indirect_dma source(%dma_start3A_62 : memref<100000x1024xf32, #tpu.memory_space<hbm>>) target(%dma_start3A_58 : memref<16x1024xf32, #tpu.memory_space<vmem>>) offsets(%dma_start3A_59 : memref<16xi32, #tpu.memory_space<vmem>>) semaphore(%arg9 : memref<!tpu.dma_semaphore, #tpu.memory_space<semaphore_mem>>)
    %rem3A_63 = arith.constant 3 : i32
    %rem3A_64 = arith.constant 4 : i32
    %rem3A_65 = arith.remsi %rem3A_63, %rem3A_64 : i32
    %mul3A_66 = arith.constant 128 : i32
    %mul3A_67 = arith.muli %rem3A_65, %mul3A_66 : i32
    %add3A_68 = arith.constant 0 : i32
    %add3A_69 = arith.addi %mul3A_67, %add3A_68 : i32
    %rem3A_70 = arith.constant 3 : i32
    %rem3A_71 = arith.constant 6 : i32
    %rem3A_72 = arith.remsi %rem3A_70, %rem3A_71 : i32
    %mul3A_73 = arith.constant 16 : i32
    %mul3A_74 = arith.muli %rem3A_72, %mul3A_73 : i32
    %dma_start3A_75 = arith.constant 0 : i32
    %dma_start3A_76 = tpu.memref_slice %arg8[%mul3A_74, %dma_start3A_75] : memref<96x1024xf32, #tpu.memory_space<vmem>> -> memref<16x1024xf32, #tpu.memory_space<vmem>>
    %dma_start3A_77 = tpu.memref_slice %arg6[%add3A_69] : memref<512xi32, #tpu.memory_space<vmem>> -> memref<16xi32, #tpu.memory_space<vmem>>
    %dma_start3A_78 = arith.constant 0 : i32
    %dma_start3A_79 = arith.constant 0 : i32
    %dma_start3A_80 = tpu.memref_slice %arg3[%dma_start3A_78, %dma_start3A_79] : memref<100000x1024xf32, #tpu.memory_space<hbm>> -> memref<100000x1024xf32, #tpu.memory_space<hbm>>
    tpu.enqueue_indirect_dma source(%dma_start3A_80 : memref<100000x1024xf32, #tpu.memory_space<hbm>>) target(%dma_start3A_76 : memref<16x1024xf32, #tpu.memory_space<vmem>>) offsets(%dma_start3A_77 : memref<16xi32, #tpu.memory_space<vmem>>) semaphore(%arg9 : memref<!tpu.dma_semaphore, #tpu.memory_space<semaphore_mem>>)
    %rem3A_81 = arith.constant 4 : i32
    %rem3A_82 = arith.constant 4 : i32
    %rem3A_83 = arith.remsi %rem3A_81, %rem3A_82 : i32
    %mul3A_84 = arith.constant 128 : i32
    %mul3A_85 = arith.muli %rem3A_83, %mul3A_84 : i32
    %add3A_86 = arith.constant 16 : i32
    %add3A_87 = arith.addi %mul3A_85, %add3A_86 : i32
    %rem3A_88 = arith.constant 4 : i32
    %rem3A_89 = arith.constant 6 : i32
    %rem3A_90 = arith.remsi %rem3A_88, %rem3A_89 : i32
    %mul3A_91 = arith.constant 16 : i32
    %mul3A_92 = arith.muli %rem3A_90, %mul3A_91 : i32
    %dma_start3A_93 = arith.constant 0 : i32
    %dma_start3A_94 = tpu.memref_slice %arg8[%mul3A_92, %dma_start3A_93] : memref<96x1024xf32, #tpu.memory_space<vmem>> -> memref<16x1024xf32, #tpu.memory_space<vmem>>
    %dma_start3A_95 = tpu.memref_slice %arg6[%add3A_87] : memref<512xi32, #tpu.memory_space<vmem>> -> memref<16xi32, #tpu.memory_space<vmem>>
    %dma_start3A_96 = arith.constant 0 : i32
    %dma_start3A_97 = arith.constant 0 : i32
    %dma_start3A_98 = tpu.memref_slice %arg3[%dma_start3A_96, %dma_start3A_97] : memref<100000x1024xf32, #tpu.memory_space<hbm>> -> memref<100000x1024xf32, #tpu.memory_space<hbm>>
    tpu.enqueue_indirect_dma source(%dma_start3A_98 : memref<100000x1024xf32, #tpu.memory_space<hbm>>) target(%dma_start3A_94 : memref<16x1024xf32, #tpu.memory_space<vmem>>) offsets(%dma_start3A_95 : memref<16xi32, #tpu.memory_space<vmem>>) semaphore(%arg9 : memref<!tpu.dma_semaphore, #tpu.memory_space<semaphore_mem>>)
    %scan3A = arith.constant 0 : i32
    %scan3A_99 = arith.constant 32 : i32
    %scan3A_100 = arith.addi %scan3A, %scan3A_99 : i32
    %scan3A_101 = arith.constant 1 : i32
    scf.for %scan3A_123 = %scan3A to %scan3A_100 step %scan3A_101  : i32 {
      %rem3A_124 = arith.constant 6 : i32
      %rem3A_125 = arith.remsi %scan3A_123, %rem3A_124 : i32
      %mul3A_126 = arith.constant 16 : i32
      %mul3A_127 = arith.muli %rem3A_125, %mul3A_126 : i32
      %rem3A_128 = arith.constant 6 : i32
      %rem3A_129 = arith.remsi %scan3A_123, %rem3A_128 : i32
      %mul3A_130 = arith.constant 16 : i32
      %mul3A_131 = arith.muli %rem3A_129, %mul3A_130 : i32
      %dma_wait3A_132 = arith.constant 0 : i32
      %dma_wait3A_133 = tpu.memref_slice %arg8[%mul3A_131, %dma_wait3A_132] : memref<96x1024xf32, #tpu.memory_space<vmem>> -> memref<16x1024xf32, #tpu.memory_space<vmem>>
      %dma_wait3A_134 = arith.constant 0 : i32
      %dma_wait3A_135 = arith.constant 0 : i32
      %dma_wait3A_136 = tpu.memref_slice %arg3[%dma_wait3A_134, %dma_wait3A_135] : memref<100000x1024xf32, #tpu.memory_space<hbm>> -> memref<16x1024xf32, #tpu.memory_space<hbm>>
      %dma_wait3A_137 = arith.constant 0 : i32
      %dma_wait3A_138 = tpu.memref_slice %arg8[%mul3A_131, %dma_wait3A_137] : memref<96x1024xf32, #tpu.memory_space<vmem>> -> memref<16x1024xf32, #tpu.memory_space<vmem>>
      %dma_wait3A_139 = arith.constant 0 : i32
      %dma_wait3A_140 = arith.constant 0 : i32
      %dma_wait3A_141 = tpu.memref_slice %arg3[%dma_wait3A_139, %dma_wait3A_140] : memref<100000x1024xf32, #tpu.memory_space<hbm>> -> memref<16x1024xf32, #tpu.memory_space<hbm>>
      tpu.wait_dma2 semaphore(%arg9 : memref<!tpu.dma_semaphore, #tpu.memory_space<semaphore_mem>>) src(%dma_wait3A_141 : memref<16x1024xf32, #tpu.memory_space<hbm>>) dst(%dma_wait3A_138 : memref<16x1024xf32, #tpu.memory_space<vmem>>)
      %rem3A_142 = arith.constant 6 : i32
      %rem3A_143 = arith.remsi %scan3A_123, %rem3A_142 : i32
      %mul3A_144 = arith.constant 16 : i32
      %mul3A_145 = arith.muli %rem3A_143, %mul3A_144 : i32
      %rem3A_146 = arith.constant 4 : i32
      %rem3A_147 = arith.remsi %scan3A_123, %rem3A_146 : i32
      %mul3A_148 = arith.constant 4096 : i32
      %mul3A_149 = arith.muli %rem3A_147, %mul3A_148 : i32
      %add3A_150 = arith.addi %mul3A_149, %mul3A_2 : i32
      %jit3A = arith.constant 4 : i32
      %div3A = arith.divsi %scan3A_123, %jit3A : i32
      %sign3A = arith.constant 0 : i32
      %sign3A_151 = arith.cmpi sgt, %scan3A_123, %sign3A : i32
      %sign3A_152 = arith.extui %sign3A_151 : i1 to i32
      %sign3A_153 = arith.constant 0 : i32
      %sign3A_154 = arith.cmpi slt, %scan3A_123, %sign3A_153 : i32
      %sign3A_155 = arith.extui %sign3A_154 : i1 to i32
      %sign3A_156 = arith.subi %sign3A_152, %sign3A_155 : i32
      %sign3A_157 = arith.constant 0 : i32
      %sign3A_158 = arith.cmpi sgt, %jit3A, %sign3A_157 : i32
      %sign3A_159 = arith.extui %sign3A_158 : i1 to i32
      %sign3A_160 = arith.constant 0 : i32
      %sign3A_161 = arith.cmpi slt, %jit3A, %sign3A_160 : i32
      %sign3A_162 = arith.extui %sign3A_161 : i1 to i32
      %sign3A_163 = arith.subi %sign3A_159, %sign3A_162 : i32
      %ne3A = arith.cmpi ne, %sign3A_156, %sign3A_163 : i32
      %rem3A_164 = arith.remsi %scan3A_123, %jit3A : i32
      %ne3A_165 = arith.constant 0 : i32
      %ne3A_166 = arith.cmpi ne, %rem3A_164, %ne3A_165 : i32
      %and3A = arith.andi %ne3A, %ne3A_166 : i1
      %sub3A = arith.constant 1 : i32
      %sub3A_167 = arith.subi %div3A, %sub3A : i32
      %select_n3A = arith.select %and3A, %sub3A_167, %div3A : i32
      %mul3A_168 = arith.constant 16 : i32
      %mul3A_169 = arith.muli %select_n3A, %mul3A_168 : i32
      %add3A_170 = arith.addi %add3A_150, %mul3A_169 : i32
      %dma_start3A_171 = arith.constant 0 : i32
      %dma_start3A_172 = tpu.memref_slice %arg8[%mul3A_145, %dma_start3A_171] : memref<96x1024xf32, #tpu.memory_space<vmem>> -> memref<16x1024xf32, #tpu.memory_space<vmem>>
      %dma_start3A_173 = arith.constant 0 : i32
      %dma_start3A_174 = tpu.memref_slice %arg5[%add3A_170, %dma_start3A_173] : memref<16384x1024xf32, #tpu.memory_space<hbm>> -> memref<16x1024xf32, #tpu.memory_space<hbm>>
      %dma_start3A_175 = arith.constant 0 : i32
      %dma_start3A_176 = tpu.memref_slice %arg5[%add3A_170, %dma_start3A_175] : memref<16384x1024xf32, #tpu.memory_space<hbm>> -> memref<16x1024xf32, #tpu.memory_space<hbm>>
      %dma_start3A_177 = arith.constant 0 : i32
      %dma_start3A_178 = tpu.memref_slice %arg8[%mul3A_145, %dma_start3A_177] : memref<96x1024xf32, #tpu.memory_space<vmem>> -> memref<16x1024xf32, #tpu.memory_space<vmem>>
      tpu.enqueue_dma source(%dma_start3A_178 : memref<16x1024xf32, #tpu.memory_space<vmem>>) target(%dma_start3A_176 : memref<16x1024xf32, #tpu.memory_space<hbm>>) target_semaphore(%arg10 : memref<!tpu.dma_semaphore, #tpu.memory_space<semaphore_mem>>)
      %ge3A = arith.constant 1 : i32
      %ge3A_179 = arith.cmpi sge, %scan3A_123, %ge3A : i32
      %convert_element_type3A = arith.extui %ge3A_179 : i1 to i32
      %cond3A = arith.constant 0 : i32
      %cond3A_180 = arith.cmpi ne, %convert_element_type3A, %cond3A : i32
      scf.if %cond3A_180 {
        %rem3A_189 = arith.constant 6 : i32
        %rem3A_190 = arith.remsi %scan3A_123, %rem3A_189 : i32
        %mul3A_191 = arith.constant 16 : i32
        %mul3A_192 = arith.muli %rem3A_190, %mul3A_191 : i32
        %sub3A_193 = arith.constant 1 : i32
        %sub3A_194 = arith.subi %scan3A_123, %sub3A_193 : i32
        %rem3A_195 = arith.constant 4 : i32
        %rem3A_196 = arith.remsi %sub3A_194, %rem3A_195 : i32
        %mul3A_197 = arith.constant 4096 : i32
        %mul3A_198 = arith.muli %rem3A_196, %mul3A_197 : i32
        %add3A_199 = arith.addi %mul3A_198, %mul3A_2 : i32
        %jit3A_200 = arith.constant 4 : i32
        %div3A_201 = arith.divsi %sub3A_194, %jit3A_200 : i32
        %sign3A_202 = arith.constant 0 : i32
        %sign3A_203 = arith.cmpi sgt, %sub3A_194, %sign3A_202 : i32
        %sign3A_204 = arith.extui %sign3A_203 : i1 to i32
        %sign3A_205 = arith.constant 0 : i32
        %sign3A_206 = arith.cmpi slt, %sub3A_194, %sign3A_205 : i32
        %sign3A_207 = arith.extui %sign3A_206 : i1 to i32
        %sign3A_208 = arith.subi %sign3A_204, %sign3A_207 : i32
        %sign3A_209 = arith.constant 0 : i32
        %sign3A_210 = arith.cmpi sgt, %jit3A_200, %sign3A_209 : i32
        %sign3A_211 = arith.extui %sign3A_210 : i1 to i32
        %sign3A_212 = arith.constant 0 : i32
        %sign3A_213 = arith.cmpi slt, %jit3A_200, %sign3A_212 : i32
        %sign3A_214 = arith.extui %sign3A_213 : i1 to i32
        %sign3A_215 = arith.subi %sign3A_211, %sign3A_214 : i32
        %ne3A_216 = arith.cmpi ne, %sign3A_208, %sign3A_215 : i32
        %rem3A_217 = arith.remsi %sub3A_194, %jit3A_200 : i32
        %ne3A_218 = arith.constant 0 : i32
        %ne3A_219 = arith.cmpi ne, %rem3A_217, %ne3A_218 : i32
        %and3A_220 = arith.andi %ne3A_216, %ne3A_219 : i1
        %sub3A_221 = arith.constant 1 : i32
        %sub3A_222 = arith.subi %div3A_201, %sub3A_221 : i32
        %select_n3A_223 = arith.select %and3A_220, %sub3A_222, %div3A_201 : i32
        %mul3A_224 = arith.constant 16 : i32
        %mul3A_225 = arith.muli %select_n3A_223, %mul3A_224 : i32
        %add3A_226 = arith.addi %add3A_199, %mul3A_225 : i32
        %dma_wait3A_227 = arith.constant 0 : i32
        %dma_wait3A_228 = tpu.memref_slice %arg8[%mul3A_192, %dma_wait3A_227] : memref<96x1024xf32, #tpu.memory_space<vmem>> -> memref<16x1024xf32, #tpu.memory_space<vmem>>
        %dma_wait3A_229 = arith.constant 0 : i32
        %dma_wait3A_230 = tpu.memref_slice %arg5[%add3A_226, %dma_wait3A_229] : memref<16384x1024xf32, #tpu.memory_space<hbm>> -> memref<16x1024xf32, #tpu.memory_space<hbm>>
        %dma_wait3A_231 = arith.constant 0 : i32
        %dma_wait3A_232 = tpu.memref_slice %arg5[%add3A_226, %dma_wait3A_231] : memref<16384x1024xf32, #tpu.memory_space<hbm>> -> memref<16x1024xf32, #tpu.memory_space<hbm>>
        %dma_wait3A_233 = arith.constant 0 : i32
        %dma_wait3A_234 = tpu.memref_slice %arg8[%mul3A_192, %dma_wait3A_233] : memref<96x1024xf32, #tpu.memory_space<vmem>> -> memref<16x1024xf32, #tpu.memory_space<vmem>>
        tpu.wait_dma2 semaphore(%arg10 : memref<!tpu.dma_semaphore, #tpu.memory_space<semaphore_mem>>) src(%dma_wait3A_234 : memref<16x1024xf32, #tpu.memory_space<vmem>>) dst(%dma_wait3A_232 : memref<16x1024xf32, #tpu.memory_space<hbm>>)
      } else {
      }
      %add3A_181 = arith.constant 6 : i32
      %add3A_182 = arith.addi %scan3A_123, %add3A_181 : i32
      %sub3A_183 = arith.constant 1 : i32
      %sub3A_184 = arith.subi %add3A_182, %sub3A_183 : i32
      %lt3A = arith.constant 32 : i32
      %lt3A_185 = arith.cmpi slt, %sub3A_184, %lt3A : i32
      %convert_element_type3A_186 = arith.extui %lt3A_185 : i1 to i32
      %cond3A_187 = arith.constant 0 : i32
      %cond3A_188 = arith.cmpi ne, %convert_element_type3A_186, %cond3A_187 : i32
      scf.if %cond3A_188 {
        %add3A_189 = arith.constant 6 : i32
        %add3A_190 = arith.addi %scan3A_123, %add3A_189 : i32
        %sub3A_191 = arith.constant 1 : i32
        %sub3A_192 = arith.subi %add3A_190, %sub3A_191 : i32
        %rem3A_193 = arith.constant 4 : i32
        %rem3A_194 = arith.remsi %sub3A_192, %rem3A_193 : i32
        %mul3A_195 = arith.constant 128 : i32
        %mul3A_196 = arith.muli %rem3A_194, %mul3A_195 : i32
        %jit3A_197 = arith.constant 4 : i32
        %div3A_198 = arith.divsi %sub3A_192, %jit3A_197 : i32
        %sign3A_199 = arith.constant 0 : i32
        %sign3A_200 = arith.cmpi sgt, %sub3A_192, %sign3A_199 : i32
        %sign3A_201 = arith.extui %sign3A_200 : i1 to i32
        %sign3A_202 = arith.constant 0 : i32
        %sign3A_203 = arith.cmpi slt, %sub3A_192, %sign3A_202 : i32
        %sign3A_204 = arith.extui %sign3A_203 : i1 to i32
        %sign3A_205 = arith.subi %sign3A_201, %sign3A_204 : i32
        %sign3A_206 = arith.constant 0 : i32
        %sign3A_207 = arith.cmpi sgt, %jit3A_197, %sign3A_206 : i32
        %sign3A_208 = arith.extui %sign3A_207 : i1 to i32
        %sign3A_209 = arith.constant 0 : i32
        %sign3A_210 = arith.cmpi slt, %jit3A_197, %sign3A_209 : i32
        %sign3A_211 = arith.extui %sign3A_210 : i1 to i32
        %sign3A_212 = arith.subi %sign3A_208, %sign3A_211 : i32
        %ne3A_213 = arith.cmpi ne, %sign3A_205, %sign3A_212 : i32
        %rem3A_214 = arith.remsi %sub3A_192, %jit3A_197 : i32
        %ne3A_215 = arith.constant 0 : i32
        %ne3A_216 = arith.cmpi ne, %rem3A_214, %ne3A_215 : i32
        %and3A_217 = arith.andi %ne3A_213, %ne3A_216 : i1
        %sub3A_218 = arith.constant 1 : i32
        %sub3A_219 = arith.subi %div3A_198, %sub3A_218 : i32
        %select_n3A_220 = arith.select %and3A_217, %sub3A_219, %div3A_198 : i32
        %mul3A_221 = arith.constant 16 : i32
        %mul3A_222 = arith.muli %select_n3A_220, %mul3A_221 : i32
        %add3A_223 = arith.addi %mul3A_196, %mul3A_222 : i32
        %rem3A_224 = arith.constant 6 : i32
        %rem3A_225 = arith.remsi %sub3A_192, %rem3A_224 : i32
        %mul3A_226 = arith.constant 16 : i32
        %mul3A_227 = arith.muli %rem3A_225, %mul3A_226 : i32
        %dma_start3A_228 = arith.constant 0 : i32
        %dma_start3A_229 = tpu.memref_slice %arg8[%mul3A_227, %dma_start3A_228] : memref<96x1024xf32, #tpu.memory_space<vmem>> -> memref<16x1024xf32, #tpu.memory_space<vmem>>
        %dma_start3A_230 = tpu.memref_slice %arg6[%add3A_223] : memref<512xi32, #tpu.memory_space<vmem>> -> memref<16xi32, #tpu.memory_space<vmem>>
        %dma_start3A_231 = arith.constant 0 : i32
        %dma_start3A_232 = arith.constant 0 : i32
        %dma_start3A_233 = tpu.memref_slice %arg3[%dma_start3A_231, %dma_start3A_232] : memref<100000x1024xf32, #tpu.memory_space<hbm>> -> memref<100000x1024xf32, #tpu.memory_space<hbm>>
        tpu.enqueue_indirect_dma source(%dma_start3A_233 : memref<100000x1024xf32, #tpu.memory_space<hbm>>) target(%dma_start3A_229 : memref<16x1024xf32, #tpu.memory_space<vmem>>) offsets(%dma_start3A_230 : memref<16xi32, #tpu.memory_space<vmem>>) semaphore(%arg9 : memref<!tpu.dma_semaphore, #tpu.memory_space<semaphore_mem>>)
      } else {
      }
    }
    %scan3A_102 = arith.constant 32 : i32
    %rem3A_103 = arith.constant 0 : i32
    %rem3A_104 = arith.constant 6 : i32
    %rem3A_105 = arith.remsi %rem3A_103, %rem3A_104 : i32
    %mul3A_106 = arith.constant 16 : i32
    %mul3A_107 = arith.muli %rem3A_105, %mul3A_106 : i32
    %rem3A_108 = arith.constant 31 : i32
    %rem3A_109 = arith.constant 4 : i32
    %rem3A_110 = arith.remsi %rem3A_108, %rem3A_109 : i32
    %mul3A_111 = arith.constant 4096 : i32
    %mul3A_112 = arith.muli %rem3A_110, %mul3A_111 : i32
    %add3A_113 = arith.addi %mul3A_112, %mul3A_2 : i32
    %add3A_114 = arith.constant 112 : i32
    %add3A_115 = arith.addi %add3A_113, %add3A_114 : i32
    %dma_wait3A = arith.constant 0 : i32
    %dma_wait3A_116 = tpu.memref_slice %arg8[%mul3A_107, %dma_wait3A] : memref<96x1024xf32, #tpu.memory_space<vmem>> -> memref<16x1024xf32, #tpu.memory_space<vmem>>
    %dma_wait3A_117 = arith.constant 0 : i32
    %dma_wait3A_118 = tpu.memref_slice %arg5[%add3A_115, %dma_wait3A_117] : memref<16384x1024xf32, #tpu.memory_space<hbm>> -> memref<16x1024xf32, #tpu.memory_space<hbm>>
    %dma_wait3A_119 = arith.constant 0 : i32
    %dma_wait3A_120 = tpu.memref_slice %arg5[%add3A_115, %dma_wait3A_119] : memref<16384x1024xf32, #tpu.memory_space<hbm>> -> memref<16x1024xf32, #tpu.memory_space<hbm>>
    %dma_wait3A_121 = arith.constant 0 : i32
    %dma_wait3A_122 = tpu.memref_slice %arg8[%mul3A_107, %dma_wait3A_121] : memref<96x1024xf32, #tpu.memory_space<vmem>> -> memref<16x1024xf32, #tpu.memory_space<vmem>>
    tpu.wait_dma2 semaphore(%arg10 : memref<!tpu.dma_semaphore, #tpu.memory_space<semaphore_mem>>) src(%dma_wait3A_122 : memref<16x1024xf32, #tpu.memory_space<vmem>>) dst(%dma_wait3A_120 : memref<16x1024xf32, #tpu.memory_space<hbm>>)
    return
  }
}

</mosaic_0001>

<sc_bundles>
// kernel: _embed.3.cloned.1.call-start
scs
__scs_entry_jumppad:
0x0: {  	(pc) =	sbr.rel $0x88, $3  }
0x1: {  	(tag) =	ssettag $0x0;
	lr =	simm.s32 $0x1  }
0x2: {  	[smem:$0x3F9E] =	sst lr;
	_ =	strace $0xD0000000  }
0x3: {  	_ = 	snop  }
0x4: {  	_ = 	snop  }
0x5: {  	_ = 	snop  }
0x6: {  	_ = 	snop  }
0x7: {  	_ = 	snop  }
__scs_overlays_trampoline_lowered:
0x8: {  	[smem:$0x3FAD] =	sst s0  }
0x9: {  	[smem:$0x3FAE] =	sst s1  }
0xa: {  	[smem:$0x3FAF] =	sst s2  }
0xb: {  	[smem:$0x3FB0] =	sst s3  }
0xc: {  	[smem:$0x3FB1] =	sst s4  }
0xd: {  	[smem:$0x3FB2] =	sst s5  }
0xe: {  	[smem:$0x3FB3] =	sst s6  }
0xf: {  	[smem:$0x3FB4] =	sst s7  }
0x10: {  	[smem:$0x3FB5] =	sst s8  }
0x11: {  	[smem:$0x3FB6] =	sst s9;
	s0 =	simm.s32 @!p0 $0x0  }
0x12: {  	s1 =	sld [smem:$0x3F9C];
	s0 =	simm.s32 @p0 $0x1  }
0x13: {  	[smem:$0x3FB7] =	sst s0;
	s0 =	simm.s32 @!p1 $0x0  }
0x14: {  	s2 =	sld [smem:$0x3F9B];
	s0 =	simm.s32 @p1 $0x1  }
0x15: {  	[smem:$0x3FB8] =	sst s0;
	s0 =	simm.s32 @!p2 $0x0  }
0x16: {  	s3 =	sld [smem:$0x3FDB];
	s0 =	simm.s32 @p2 $0x1  }
0x17: {  	s4 =	simm.s32 $0x1BF5;
	[smem:$0x3FBA] =	sst s0  }
0x18: {  	s0 =	sld [smem:$0x3F9D];
	_ =	swait.ge [sflag:s4], $0x0  }
0x19: {  	s7 =	sld [smem:$0x3F9E]  }
0x1a: {  	s8 =	sadd.s32 $0xFFFFE003, lr  }
0x1b: {  	s9 =	sadd.s32 $0xFFFFFEF7, lr;
	s5 =	simm.s32 $0xFFFFFFFF;
	p2 =	slt.u32 s8, $0xFFFFF086  }
0x1c: {  	p1 =	slt.u32 s9, $0xF7A;
	s5 =	simm.s32 @!p2 $0x0  }
0x1d: {  	s5 =	simm.s32 @p1 $0x1;
	p0 =	seq.s32 s7, s2  }
0x1e: {  	s7 =	smul.u32 @!p0 $0xF7A, s2;
	p2 =	seq.s32 @!p0 s5, $0x0  }
0x1f: {  	s9 =	smul.u32 $0xF7A, s1;
	s8 =	simm.s32 @!p0 $0x1BF5;
	p2 =	por !p2, p0  }
0x20: {  	[sflag:s8] =	ssyncset.s32 @!p0 $0xFFFFF086;
	s6 =	sadd.s32 @!p0 s3, s7;
	s7 =	simm.s32 @!p0 $0x108  }
0x21: {  	s3 =	sadd.s32 s3, s9;
	s6 =	sadd.s32 @!p0 $0x88, s6;
	s7 =	simm.s32 @p2 $0x1082  }
0x22: {  	[simem:s7], [sflag:s8] =	dma.local @!p0 [hbm:s6], $0xF7A  }
0x23: {  	s9 =	sor.u32 $0xD0000000, s2;
	s6 =	simm.s32 $0x108;
	_ =	swait.ge @!p0 [sflag:s8], $0x0  }
0x24: {  	s3 =	sadd.s32 $0x88, s3;
	s6 =	simm.s32 @!p1 $0x1082;
	[sflag:s4] =	ssyncset.s32 $0xFFFFF086  }
0x25: {  	[simem:s6], [sflag:s4] =	dma.local [hbm:s3], $0xF7A  }
0x26: {  	[smem:$0x3F9E] =	sst s1;
	(tag) =	ssettag s2;
	_ =	strace s9  }
0x27: {  	s1 =	sld [smem:$0x3FAE]  }
0x28: {  	s2 =	sld [smem:$0x3FAF]  }
0x29: {  	s4 =	sld [smem:$0x3FB1]  }
0x2a: {  	p0 =	seq.s32 s5, $0x0;
	s5 =	sld [smem:$0x3FB2]  }
0x2b: {  	s6 =	sld [smem:$0x3FB3]  }
0x2c: {  	s7 =	sld [smem:$0x3FB4]  }
0x2d: {  	s3 =	simm.s32 $0x108;
	s8 =	sld [smem:$0x3FB5]  }
0x2e: {  	s3 =	simm.s32 @!p0 $0x1082;
	s9 =	sld [smem:$0x3FB6]  }
0x2f: {  	lr =	sadd.s32 s0, s3;
	s0 =	sld [smem:$0x3FAD]  }
0x30: {  	s3 =	sld [smem:$0x3FB0]  }
0x31: {  	[smem:$0x3FB9] =	sst s10  }
0x32: {  	s10 =	sld [smem:$0x3FB7];
	_ =	sdelay $0x3  }
0x33: {  	p0 =	seq.s32 s10, $0x1;
	s10 =	sld [smem:$0x3FB9];
	_ =	sdelay $0x3  }
0x34: {  	[smem:$0x3FB9] =	sst s10  }
0x35: {  	s10 =	sld [smem:$0x3FB8];
	_ =	sdelay $0x3  }
0x36: {  	p1 =	seq.s32 s10, $0x1;
	s10 =	sld [smem:$0x3FB9];
	_ =	sdelay $0x3  }
0x37: {  	[smem:$0x3FB9] =	sst s10  }
0x38: {  	s10 =	sld [smem:$0x3FBA]  }
0x39: {  	_ = 	snop;
	(pc) =	sbr.ind lr, $3  }
0x3a: {  	_ = 	snop  }
0x3b: {  	_ = 	snop  }
0x3c: {  	p2 =	seq.s32 s10, $0x1;
	s10 =	sld [smem:$0x3FB9]  }
0x3d: {  	_ =	shalt  }
0x3e: {  	_ =	shalt  }
0x3f: {  	_ =	shalt  }
0x40: {  	_ =	shalt  }
0x41: {  	_ =	shalt  }
0x42: {  	_ =	shalt  }
0x43: {  	_ =	shalt  }
0x44: {  	_ =	shalt  }
0x45: {  	_ =	shalt  }
0x46: {  	_ =	shalt  }
0x47: {  	_ =	shalt  }
0x48: {  	_ =	shalt  }
0x49: {  	_ =	shalt  }
0x4a: {  	_ =	shalt  }
0x4b: {  	_ =	shalt  }
0x4c: {  	_ =	shalt  }
0x4d: {  	_ =	shalt  }
0x4e: {  	_ =	shalt  }
0x4f: {  	_ =	shalt  }
0x50: {  	_ =	shalt  }
0x51: {  	_ =	shalt  }
0x52: {  	_ =	shalt  }
0x53: {  	_ =	shalt  }
0x54: {  	_ =	shalt  }
0x55: {  	_ =	shalt  }
0x56: {  	_ =	shalt  }
0x57: {  	_ =	shalt  }
0x58: {  	_ =	shalt  }
0x59: {  	_ =	shalt  }
0x5a: {  	_ =	shalt  }
0x5b: {  	_ =	shalt  }
0x5c: {  	_ =	shalt  }
0x5d: {  	_ =	shalt  }
0x5e: {  	_ =	shalt  }
0x5f: {  	_ =	shalt  }
0x60: {  	_ =	shalt  }
0x61: {  	_ =	shalt  }
0x62: {  	_ =	shalt  }
0x63: {  	_ =	shalt  }
0x64: {  	_ =	shalt  }
0x65: {  	_ =	shalt  }
0x66: {  	_ =	shalt  }
0x67: {  	_ =	shalt  }
0x68: {  	_ =	shalt  }
0x69: {  	_ =	shalt  }
0x6a: {  	_ =	shalt  }
0x6b: {  	_ =	shalt  }
0x6c: {  	_ =	shalt  }
0x6d: {  	_ =	shalt  }
0x6e: {  	_ =	shalt  }
0x6f: {  	_ =	shalt  }
0x70: {  	_ =	shalt  }
0x71: {  	_ =	shalt  }
0x72: {  	_ =	shalt  }
0x73: {  	_ =	shalt  }
0x74: {  	_ =	shalt  }
0x75: {  	_ =	shalt  }
0x76: {  	_ =	shalt  }
0x77: {  	_ =	shalt  }
0x78: {  	_ =	shalt  }
0x79: {  	_ =	shalt  }
0x7a: {  	_ =	shalt  }
0x7b: {  	_ =	shalt  }
0x7c: {  	_ =	shalt  }
0x7d: {  	_ =	shalt  }
0x7e: {  	_ =	shalt  }
0x7f: {  	_ =	shalt  }
0x80: {  	_ =	shalt  }
0x81: {  	_ =	shalt  }
0x82: {  	_ =	shalt  }
0x83: {  	_ =	shalt  }
0x84: {  	_ =	shalt  }
0x85: {  	_ =	shalt  }
0x86: {  	_ =	shalt  }
0x87: {  	_ =	shalt  }
.Lfunc_end0:
.L_simem_size_0:
called_computation_lowered:
.L_overlay_start_0:
0x88: {  	s2 =	sld [smem:$0x3FD9]  }
0x89: {  	s3 =	sld [smem:$0x3FFE];
	_ =	sdelay $0x1  }
0x8a: {  	s1 =	srdreg.scid  }
0x8b: {  	s0 =	sand.u32 $0x1, s1  }
0x8c: {  	s18 =	sshll.u32 s0, $0xA;
	s2 =	sadd.s32 s3, s2  }
0x8d: {  	s2 =	sadd.s32 s2, s18  }
0x8e: {  	[smem:$0x3FC5] =	sst s2  }
0x8f: {  	_ = 	snop  }
0x90: {  	s2 =	sld [smem:$0x3FC9]  }
0x91: {  	s19 =	sld [smem:$0x3FC8]  }
0x92: {  	s4 =	sld [smem:$0x3FD0];
	(tm) =	ssettm $0x1  }
0x93: {  	s5 =	sld [smem:$0x3FFB];
	_ =	sdelay $0x3  }
0x94: {  	_ =	strace s5  }
0x95: {  	s5 =	sld [smem:$0x3FFC];
	_ =	sdelay $0x3  }
0x96: {  	_ =	strace s5  }
0x97: {  	s5 =	sld [smem:$0x3FFD];
	_ =	sdelay $0x3  }
0x98: {  	_ =	strace s5  }
0x99: {  	_ =	strace $0x8FFFFFFF  }
0x9a: {  	s20 =	sld [smem:$0x3FDB];
	_ =	sdelay $0x1  }
0x9b: {  	s6 =	simm.s32 $_scs_section_size  }
0x9c: {  	s7 =	simm.s32 $_size__tile_overlayer_lowered;
	s8 =	simm.s32 $_tile_overlayer_lowered  }
0x9d: {  	s23 =	simm.s32 $0x1BFF;
	s22 =	sshll.u32 s8, $0x1;
	s5 =	sadd.s32 s6, s20  }
0x9e: {  	s9 =	simm.s32 $0x0;
	s21 =	sshll.u32 s7, $0x1;
	s7 =	sadd.s32 s22, s5  }
0x9f: {  	[timem:s9], [sflag:s23] =	dma.local [hbm:s7], s21  }
0xa0: {  	_ =	swait.ge [sflag:s23], s21  }
0xa1: {  	s6 =	ssub.s32 $0x0, s21;
	[sflag:s23] =	ssyncset.done $0x0  }
0xa2: {  	[sflag:s23] =	ssyncadd.s32 s6;
	_ =	sdelay $0x1  }
0xa3: {  	s24 =	simm.s32 $0x1B8B  }
0xa4: {  	_ =	swait.ge [sflag:s24], $0x1  }
0xa5: {  	[sflag:s24] =	ssyncset.done $0x0  }
0xa6: {  	s25 =	simm.s32 $0x1B8E;
	[sflag:s24] =	ssyncadd.s32 $0xFFFFFFFF  }
0xa7: {  	s26 =	simm.s32 $execute0_lowered;
	[smem:$0x3FD2] =	sst s25  }
0xa8: {  	s6 =	sshll.u32 s26, $0x1;
	_ =	strace $0x80000046;
	[dreg:$0x1] =	wrdreg $0xFFFFFFFF  }
0xa9: {  	s28 =	simm.s32 $_size_execute0_lowered;
	s5 =	sadd.s32 s5, s6;
	[dreg:$0x0] =	wrdreg $0x0  }
0xaa: {  	s6 =	sshll.u32 s28, $0x1;
	[dreg:$0x2] =	wrdreg s5  }
0xab: {  	[dreg:$0x3] =	wrdreg s6  }
0xac: {  	[dreg:$0x4] =	wrdreg $0xC0  }
0xad: {  	_ =	task [dreg:s9], $0x5FFFF  }
0xae: {  	[dreg:$0x1] =	wrdreg $0xFFFFFFFF  }
0xaf: {  	[dreg:$0x0] =	wrdreg $0x60  }
0xb0: {  	[dreg:$0x2] =	wrdreg s2  }
0xb1: {  	[dreg:$0x3] =	wrdreg s19  }
0xb2: {  	[dreg:$0x4] =	wrdreg s4  }
0xb3: {  	[dreg:$0x5] =	wrdreg $0x9  }
0xb4: {  	_ =	task.clear_ibuf [dreg:s9], $0x6FFFF;
	_ =	strace $0x90000046  }
0xb5: {  	s29 =	simm.s32 $0x9;
	_ =	strace $0x80000048  }
0xb6: {  	_ =	swait.ge [sflag:s29], $0x1  }
0xb7: {  	[sflag:s29] =	ssyncadd.s32 $0xFFFFFFFF  }
0xb8: {  	_ =	strace $0x90000048  }
0xb9: {  	_ =	sfence  }
0xba: {  	s30 =	sld [smem:$0x0];
	_ =	sdelay $0x2  }
0xbb: {  	s31 =	sshll.u32 s1, $0xD;
	s1 =	sshrl.u32 s1, $0x2  }
0xbc: {  	s3 =	sand.u32 $0x4000, s31;
	s1 =	sadd.s32 s1, s30  }
0xbd: {  	s0 =	sor.u32 s3, s0;
	s1 =	sshll.u32 s1, $0x11  }
0xbe: {  	s0 =	sor.u32 s1, s0  }
0xbf: {  	s0 =	sadd.s32 $0x8F2B, s0  }
0xc0: {  	[sflag:s0] =	ssyncadd.remote.s32 $0x1  }
0xc1: {  	_ =	sfence.sel $0xFFFF  }
0xc2: {  	[dreg:$0x0] =	wrdreg $0xFFFFFFFF;
	(pc) =	sbr.abs _section_cstart, $3  }
0xc3: {  	[dreg:$0x1] =	wrdreg $0xFFFFFFFF  }
0xc4: {  	_ =	task.clear_ibuf [dreg:s9], $0x2FFFF;
	_ =	strace $0x9FFFFFFF  }
0xc5: {  	(tm) =	ssettm $0x7FFFFFFF  }
tec
execute0_lowered:
.L_overlay_start_1:
0x0: {  	(tag) =	ssettag $0x1  }
0x1: {  	s0 =	rddreg [dreg:$0x0]  }
0x2: {  	s1 =	srdreg.scid;
	s2 =	rddreg [dreg:$0x1]  }
0x3: {  	s3 =	stileid.u32;
	s11 =	rddreg [dreg:$0x2];
	s13 =	simm.s32 $0x3  }
0x4: {  	s29 =	simm.s32 $0xFA00;
	s30 =	simm.s32 $0x10200;
	s31 =	simm.s32 $0x10A00  }
0x5: {  	s14 =	simm.s32 $0x12200;
	s15 =	simm.s32 $0x12A00;
	s16 =	simm.s32 $0x13200  }
0x6: {  	s17 =	simm.s32 $0x13A00;
	s18 =	simm.s32 $0x1;
	s19 =	simm.s32 $0x2  }
0x7: {  	s20 =	simm.s32 $0x0;
	s1 =	sand.u32 $0x1, s1;
	s3 =	sshll.u32 s3, $0x8  }
0x8: {  	s8 =	sadd.s32 $0x100, s2;
	s9 =	sadd.s32 $0x200, s2;
	s4 =	sshll.u32 s1, $0x7  }
0x9: {  	s10 =	sadd.s32 $0x300, s2;
	s1 =	ssub.s32 $0x2, s1;
	s12 =	sor.u32 s4, s3  }
0xa: {  	s3 =	simm.s32 $0x0;
	s5 =	sshrl.u32 s1, $0x1;
	s4 =	sshrl.u32 s12, $0x3  }
0xb: {  	[smem:$0x7FF] =	sst s3;
	s26 =	ssub.s32 s1, s5;
	s28 =	sshll.u32 s12, $0x7  }
0xc: {  	v2 =	vlaneseq.u32;
	s1 =	simm.s32 $0x11200;
	s4 =	sadd.s32 s0, s4;
	_ =	strace $0x80000047  }
0xd: {  	vm0 =	vmmov $0xffff;
	v1 =	vshrl.u32 v2, $0x3;
	s11 =	sadd.s32 s11, s28;
	s12 =	smax.u32 s26, $0x1;
	s0 =	simm.s32 $0x11A00  }
0xe: {  	v0 =	vand.u32 $0x7, v2;
	v2 =	vor.u32 $0x8, v2;
	v1 =	vmul.u32 $0x8, v1;
	s5 =	sadd.s32 $0x200, s4;
	s6 =	sadd.s32 $0x400, s4;
	s7 =	sadd.s32 $0x600, s4  }
.LBB2_1:
0xf: {  	[tilespmem:s3], [sflag:$0x3] =	stream.linear.gather [hbm4b:s4+s3], $0x80, $0x38;
	[tilespmem:$0x18200] =	vst v63  }
0x10: {  	_ =	swait.ge [sflag:s13], $0x80  }
0x11: {  	[sflag:s13] =	ssyncset.done $0x0  }
0x12: {  	s21 =	simm.s32 $0x80;
	[sflag:s13] =	ssyncadd.s32 $0xFFFFFF80  }
0x13: {  	[tilespmem:s21], [sflag:$0x3] =	stream.linear.gather [hbm4b:s5+s3], $0x80, $0x38;
	[tilespmem:$0x18200] =	vst v63  }
0x14: {  	_ =	swait.ge [sflag:s13], $0x80  }
0x15: {  	[sflag:s13] =	ssyncset.done $0x0  }
0x16: {  	s22 =	simm.s32 $0x100;
	[sflag:s13] =	ssyncadd.s32 $0xFFFFFF80  }
0x17: {  	[tilespmem:s22], [sflag:$0x3] =	stream.linear.gather [hbm4b:s6+s3], $0x80, $0x38;
	[tilespmem:$0x18200] =	vst v63  }
0x18: {  	_ =	swait.ge [sflag:s13], $0x80  }
0x19: {  	[sflag:s13] =	ssyncset.done $0x0  }
0x1a: {  	s23 =	simm.s32 $0x180;
	[sflag:s13] =	ssyncadd.s32 $0xFFFFFF80  }
0x1b: {  	[tilespmem:s23], [sflag:$0x3] =	stream.linear.gather [hbm4b:s7+s3], $0x80, $0x38;
	[tilespmem:$0x18200] =	vst v63  }
0x1c: {  	_ =	swait.ge [sflag:s13], $0x80  }
0x1d: {  	[sflag:s13] =	ssyncset.done $0x0  }
0x1e: {  	[sflag:s13] =	ssyncadd.s32 $0xFFFFFF80  }
0x1f: {  	v3 =	vld [tilespmem:$0x0];
	_ =	sdelay $0x4  }
0x20: {  	v4 =	vshll.u32 v3, $0x3  }
0x21: {  	v3 =	vand.u32 $0x7, v3;
	v4 =	vand.u32 $0xFFFFFFC0, v4  }
0x22: {  	v3 =	vor.u32 v3, v4  }
0x23: {  	v4 =	vperm.xlane v3, v0;
	_ =	sdelay $0x1  }
0x24: {  	v4 =	vadd.s32 v1, v4;
	_ =	sdelay $0x3  }
0x25: {  	s24 =	simm.s32 $0x200  }
0x26: {  	[tilespmem:s24], [sflag:$0x1] =	stream.indirect_vreg.gather [hbm4b:s2+s3], $0x80, v4, vm0, $0xb8;
	[tilespmem:$0x18200] =	vst v63  }
0x27: {  	s21 =	simm.s32 $0xA00;
	v3 =	vperm.xlane v3, v2  }
0x28: {  	[tilespmem:s21], [sflag:$0x1] =	stream.indirect_vreg.gather [hbm4b:s8+s3], $0x80, v4, vm0, $0xb8;
	[tilespmem:$0x18200] =	vst v63  }
0x29: {  	s22 =	simm.s32 $0x1200;
	v3 =	vadd.s32 v1, v3  }
0x2a: {  	[tilespmem:s22], [sflag:$0x1] =	stream.indirect_vreg.gather [hbm4b:s9+s3], $0x80, v4, vm0, $0xb8;
	[tilespmem:$0x18200] =	vst v63  }
0x2b: {  	s25 =	simm.s32 $0x1A00  }
0x2c: {  	[tilespmem:s25], [sflag:$0x1] =	stream.indirect_vreg.gather [hbm4b:s10+s3], $0x80, v4, vm0, $0xb8;
	[tilespmem:$0x18200] =	vst v63  }
0x2d: {  	s26 =	simm.s32 $0x2200  }
0x2e: {  	[tilespmem:s26], [sflag:$0x1] =	stream.indirect_vreg.gather [hbm4b:s2+s3], $0x80, v3, vm0, $0xb8;
	[tilespmem:$0x18200] =	vst v63  }
0x2f: {  	s28 =	simm.s32 $0x2A00  }
0x30: {  	[tilespmem:s28], [sflag:$0x1] =	stream.indirect_vreg.gather [hbm4b:s8+s3], $0x80, v3, vm0, $0xb8;
	[tilespmem:$0x18200] =	vst v63  }
0x31: {  	s23 =	simm.s32 $0x3200  }
0x32: {  	[tilespmem:s23], [sflag:$0x1] =	stream.indirect_vreg.gather [hbm4b:s9+s3], $0x80, v3, vm0, $0xb8;
	[tilespmem:$0x18200] =	vst v63  }
0x33: {  	s24 =	simm.s32 $0x3A00  }
0x34: {  	[tilespmem:s24], [sflag:$0x1] =	stream.indirect_vreg.gather [hbm4b:s10+s3], $0x80, v3, vm0, $0xb8;
	[tilespmem:$0x18200] =	vst v63  }
0x35: {  	v3 =	vld [tilespmem:$0x80];
	_ =	sdelay $0x4  }
0x36: {  	v60 =	vshll.u32 v3, $0x3  }
0x37: {  	v3 =	vand.u32 $0x7, v3;
	v4 =	vand.u32 $0xFFFFFFC0, v60  }
0x38: {  	v3 =	vor.u32 v3, v4  }
0x39: {  	v4 =	vperm.xlane v3, v0;
	_ =	sdelay $0x1  }
0x3a: {  	v4 =	vadd.s32 v1, v4;
	_ =	sdelay $0x3  }
0x3b: {  	s25 =	simm.s32 $0x4200  }
0x3c: {  	[tilespmem:s25], [sflag:$0x1] =	stream.indirect_vreg.gather [hbm4b:s2+s3], $0x80, v4, vm0, $0xb8;
	[tilespmem:$0x18200] =	vst v63  }
0x3d: {  	s26 =	simm.s32 $0x4A00;
	v3 =	vperm.xlane v3, v2  }
0x3e: {  	[tilespmem:s26], [sflag:$0x1] =	stream.indirect_vreg.gather [hbm4b:s8+s3], $0x80, v4, vm0, $0xb8;
	[tilespmem:$0x18200] =	vst v63  }
0x3f: {  	s28 =	simm.s32 $0x5200;
	v3 =	vadd.s32 v1, v3  }
0x40: {  	[tilespmem:s28], [sflag:$0x1] =	stream.indirect_vreg.gather [hbm4b:s9+s3], $0x80, v4, vm0, $0xb8;
	[tilespmem:$0x18200] =	vst v63  }
0x41: {  	s23 =	simm.s32 $0x5A00  }
0x42: {  	[tilespmem:s23], [sflag:$0x1] =	stream.indirect_vreg.gather [hbm4b:s10+s3], $0x80, v4, vm0, $0xb8;
	[tilespmem:$0x18200] =	vst v63  }
0x43: {  	s24 =	simm.s32 $0x6200  }
0x44: {  	[tilespmem:s24], [sflag:$0x1] =	stream.indirect_vreg.gather [hbm4b:s2+s3], $0x80, v3, vm0, $0xb8;
	[tilespmem:$0x18200] =	vst v63  }
0x45: {  	s25 =	simm.s32 $0x6A00  }
0x46: {  	[tilespmem:s25], [sflag:$0x1] =	stream.indirect_vreg.gather [hbm4b:s8+s3], $0x80, v3, vm0, $0xb8;
	[tilespmem:$0x18200] =	vst v63  }
0x47: {  	s26 =	simm.s32 $0x7200  }
0x48: {  	[tilespmem:s26], [sflag:$0x1] =	stream.indirect_vreg.gather [hbm4b:s9+s3], $0x80, v3, vm0, $0xb8;
	[tilespmem:$0x18200] =	vst v63  }
0x49: {  	s28 =	simm.s32 $0x7A00  }
0x4a: {  	[tilespmem:s28], [sflag:$0x1] =	stream.indirect_vreg.gather [hbm4b:s10+s3], $0x80, v3, vm0, $0xb8;
	[tilespmem:$0x18200] =	vst v63  }
0x4b: {  	v3 =	vld [tilespmem:$0x100];
	_ =	sdelay $0x4  }
0x4c: {  	v61 =	vshll.u32 v3, $0x3  }
0x4d: {  	v3 =	vand.u32 $0x7, v3;
	v4 =	vand.u32 $0xFFFFFFC0, v61  }
0x4e: {  	v3 =	vor.u32 v3, v4  }
0x4f: {  	v4 =	vperm.xlane v3, v0;
	_ =	sdelay $0x1  }
0x50: {  	v4 =	vadd.s32 v1, v4;
	_ =	sdelay $0x3  }
0x51: {  	s23 =	simm.s32 $0x8200  }
0x52: {  	[tilespmem:s23], [sflag:$0x1] =	stream.indirect_vreg.gather [hbm4b:s2+s3], $0x80, v4, vm0, $0xb8;
	[tilespmem:$0x18200] =	vst v63  }
0x53: {  	s24 =	simm.s32 $0x8A00;
	v3 =	vperm.xlane v3, v2  }
0x54: {  	[tilespmem:s24], [sflag:$0x1] =	stream.indirect_vreg.gather [hbm4b:s8+s3], $0x80, v4, vm0, $0xb8;
	[tilespmem:$0x18200] =	vst v63  }
0x55: {  	s25 =	simm.s32 $0x9200;
	v3 =	vadd.s32 v1, v3  }
0x56: {  	[tilespmem:s25], [sflag:$0x1] =	stream.indirect_vreg.gather [hbm4b:s9+s3], $0x80, v4, vm0, $0xb8;
	[tilespmem:$0x18200] =	vst v63  }
0x57: {  	s26 =	simm.s32 $0x9A00  }
0x58: {  	[tilespmem:s26], [sflag:$0x1] =	stream.indirect_vreg.gather [hbm4b:s10+s3], $0x80, v4, vm0, $0xb8;
	[tilespmem:$0x18200] =	vst v63  }
0x59: {  	s28 =	simm.s32 $0xA200  }
0x5a: {  	[tilespmem:s28], [sflag:$0x1] =	stream.indirect_vreg.gather [hbm4b:s2+s3], $0x80, v3, vm0, $0xb8;
	[tilespmem:$0x18200] =	vst v63  }
0x5b: {  	s23 =	simm.s32 $0xAA00  }
0x5c: {  	[tilespmem:s23], [sflag:$0x1] =	stream.indirect_vreg.gather [hbm4b:s8+s3], $0x80, v3, vm0, $0xb8;
	[tilespmem:$0x18200] =	vst v63  }
0x5d: {  	s24 =	simm.s32 $0xB200  }
0x5e: {  	[tilespmem:s24], [sflag:$0x1] =	stream.indirect_vreg.gather [hbm4b:s9+s3], $0x80, v3, vm0, $0xb8;
	[tilespmem:$0x18200] =	vst v63  }
0x5f: {  	s25 =	simm.s32 $0xBA00  }
0x60: {  	[tilespmem:s25], [sflag:$0x1] =	stream.indirect_vreg.gather [hbm4b:s10+s3], $0x80, v3, vm0, $0xb8;
	[tilespmem:$0x18200] =	vst v63  }
0x61: {  	v3 =	vld [tilespmem:$0x180];
	_ =	sdelay $0x4  }
0x62: {  	v62 =	vshll.u32 v3, $0x3  }
0x63: {  	v3 =	vand.u32 $0x7, v3;
	v4 =	vand.u32 $0xFFFFFFC0, v62  }
0x64: {  	v3 =	vor.u32 v3, v4  }
0x65: {  	v4 =	vperm.xlane v3, v0;
	_ =	sdelay $0x1  }
0x66: {  	v4 =	vadd.s32 v1, v4;
	_ =	sdelay $0x3  }
0x67: {  	s26 =	simm.s32 $0xC200  }
0x68: {  	[tilespmem:s26], [sflag:$0x1] =	stream.indirect_vreg.gather [hbm4b:s2+s3], $0x80, v4, vm0, $0xb8;
	[tilespmem:$0x18200] =	vst v63  }
0x69: {  	s28 =	simm.s32 $0xCA00;
	v3 =	vperm.xlane v3, v2  }
0x6a: {  	[tilespmem:s28], [sflag:$0x1] =	stream.indirect_vreg.gather [hbm4b:s8+s3], $0x80, v4, vm0, $0xb8;
	[tilespmem:$0x18200] =	vst v63  }
0x6b: {  	s23 =	simm.s32 $0xD200;
	v3 =	vadd.s32 v1, v3  }
0x6c: {  	[tilespmem:s23], [sflag:$0x1] =	stream.indirect_vreg.gather [hbm4b:s9+s3], $0x80, v4, vm0, $0xb8;
	[tilespmem:$0x18200] =	vst v63  }
0x6d: {  	s24 =	simm.s32 $0xDA00  }
0x6e: {  	[tilespmem:s24], [sflag:$0x1] =	stream.indirect_vreg.gather [hbm4b:s10+s3], $0x80, v4, vm0, $0xb8;
	[tilespmem:$0x18200] =	vst v63  }
0x6f: {  	s25 =	simm.s32 $0xE200  }
0x70: {  	[tilespmem:s25], [sflag:$0x1] =	stream.indirect_vreg.gather [hbm4b:s2+s3], $0x80, v3, vm0, $0xb8;
	[tilespmem:$0x18200] =	vst v63  }
0x71: {  	s26 =	simm.s32 $0xEA00  }
0x72: {  	[tilespmem:s26], [sflag:$0x1] =	stream.indirect_vreg.gather [hbm4b:s8+s3], $0x80, v3, vm0, $0xb8;
	[tilespmem:$0x18200] =	vst v63  }
0x73: {  	s28 =	simm.s32 $0xF200  }
0x74: {  	[tilespmem:s28], [sflag:$0x1] =	stream.indirect_vreg.gather [hbm4b:s9+s3], $0x80, v3, vm0, $0xb8;
	[tilespmem:$0x18200] =	vst v63  }
0x75: {  	_ = 	snop  }
0x76: {  	[tilespmem:s29], [sflag:$0x1] =	stream.indirect_vreg.gather [hbm4b:s10+s3], $0x80, v3, vm0, $0xb8;
	[tilespmem:$0x18200] =	vst v63  }
0x77: {  	v3 =	vld [tilespmem:$0x10];
	_ =	sdelay $0x4  }
0x78: {  	v63 =	vshll.u32 v3, $0x3  }
0x79: {  	v3 =	vand.u32 $0x7, v3;
	v4 =	vand.u32 $0xFFFFFFC0, v63  }
0x7a: {  	v3 =	vor.u32 v3, v4  }
0x7b: {  	v4 =	vperm.xlane v3, v0;
	_ =	sdelay $0x1  }
0x7c: {  	v4 =	vadd.s32 v1, v4;
	_ =	sdelay $0x4  }
0x7d: {  	[tilespmem:s30], [sflag:$0x1] =	stream.indirect_vreg.gather [hbm4b:s2+s3], $0x80, v4, vm0, $0xb8;
	[tilespmem:$0x18200] =	vst v63  }
0x7e: {  	v3 =	vperm.xlane v3, v2  }
0x7f: {  	[tilespmem:s31], [sflag:$0x1] =	stream.indirect_vreg.gather [hbm4b:s8+s3], $0x80, v4, vm0, $0xb8;
	[tilespmem:$0x18200] =	vst v63  }
0x80: {  	v3 =	vadd.s32 v1, v3  }
0x81: {  	[tilespmem:s1], [sflag:$0x1] =	stream.indirect_vreg.gather [hbm4b:s9+s3], $0x80, v4, vm0, $0xb8;
	[tilespmem:$0x18200] =	vst v63  }
0x82: {  	_ = 	snop  }
0x83: {  	[tilespmem:s0], [sflag:$0x1] =	stream.indirect_vreg.gather [hbm4b:s10+s3], $0x80, v4, vm0, $0xb8;
	[tilespmem:$0x18200] =	vst v63  }
0x84: {  	_ = 	snop  }
0x85: {  	[tilespmem:s14], [sflag:$0x1] =	stream.indirect_vreg.gather [hbm4b:s2+s3], $0x80, v3, vm0, $0xb8;
	[tilespmem:$0x18200] =	vst v63  }
0x86: {  	_ = 	snop  }
0x87: {  	[tilespmem:s15], [sflag:$0x1] =	stream.indirect_vreg.gather [hbm4b:s8+s3], $0x80, v3, vm0, $0xb8;
	[tilespmem:$0x18200] =	vst v63  }
0x88: {  	_ = 	snop  }
0x89: {  	[tilespmem:s16], [sflag:$0x1] =	stream.indirect_vreg.gather [hbm4b:s9+s3], $0x80, v3, vm0, $0xb8;
	[tilespmem:$0x18200] =	vst v63  }
0x8a: {  	s22 =	simm.s32 $0x50;
	s23 =	simm.s32 $0x0;
	s24 =	simm.s32 $0x0  }
0x8b: {  	[tilespmem:s17], [sflag:$0x1] =	stream.indirect_vreg.gather [hbm4b:s10+s3], $0x80, v3, vm0, $0xb8;
	[tilespmem:$0x18200] =	vst v63  }
.LBB2_2:
0x8c: {  	s25 =	smul.u32 $0xAB, s24;
	_ =	sdelay $0x1  }
0x8d: {  	s25 =	sshrl.u32 s25, $0xA  }
0x8e: {  	s25 =	sand.u32 $0x3F, s25  }
0x8f: {  	s25 =	smul.u32 $0x6, s25  }
0x90: {  	_ =	swait.ge [sflag:s18], $0x4000  }
0x91: {  	s26 =	sadd.s32 $0xFFFFF600, s21;
	s28 =	sand.u32 $0x180000, s23;
	s25 =	ssub.s32 s24, s25  }
0x92: {  	p0 =	seq.s32 s24, $0x0;
	[sflag:s18] =	ssyncset.done $0x0;
	s25 =	sand.u32 $0xFF, s25  }
0x93: {  	s26 =	sand.u32 $0x3800, s26;
	s28 =	sadd.s32 s28, s11;
	s25 =	sshll.u32 s25, $0xE  }
0x94: {  	[sflag:s18] =	ssyncadd.s32 $0xFFFFC000;
	s26 =	sadd.s32 s26, s28;
	s25 =	sor.u32 $0x200, s25  }
0x95: {  	[hbm4b:s26+s3] =	stream.linear.scatter [tilespmem:s25], [sflag:$0x2], $0x4000, $0x38;
	[tilespmem:$0x18200] =	vst v63  }
0x96: {  	s25 =	simm.s32 @!p0 $0x2  }
0x97: {  	p1 =	sgt.u32 @!p0 s24, $0x1A;
	_ =	swait.ge @!p0 [sflag:s25], $0x4000  }
0x98: {  	p1 =	por p0, !p1;
	[sflag:s25] =	ssyncset.done @!p0 $0x0  }
0x99: {  	s26 =	sand.u32 @p1 $0x3C0, s22;
	[sflag:s25] =	ssyncadd.s32 @!p0 $0xFFFFC000;
	s25 =	sand.u32 @p1 $0x600, s21  }
0x9a: {  	s26 =	sshrl.u32 @p1 s26, $0x2;
	s25 =	sshrl.u32 @p1 s25, $0x2  }
0x9b: {  	s25 =	sadd.s32 @p1 s26, s25  }
0x9c: {  	v3 =	vld @p1 [tilespmem:s25+$0x0];
	_ =	sdelay $0x3  }
0x9d: {  	s25 =	sadd.s32 @p1 $0x5, s24  }
0x9e: {  	s26 =	smul.u32 @p1 $0xAB, s25;
	v4 =	vshll.u32 @p1 v3, $0x3  }
0x9f: {  	v3 =	vand.u32 @p1 $0x7, v3;
	v4 =	vand.u32 @p1 $0xFFFFFFC0, v4  }
0xa0: {  	s26 =	sshrl.u32 @p1 s26, $0xA;
	v3 =	vor.u32 @p1 v3, v4  }
0xa1: {  	s26 =	sand.u32 @p1 $0x3F, s26;
	v4 =	vperm.xlane @p1 v3, v0  }
0xa2: {  	s26 =	smul.u32 @p1 $0x6, s26  }
0xa3: {  	v4 =	vadd.s32 @p1 v1, v4  }
0xa4: {  	s25 =	ssub.s32 @p1 s25, s26  }
0xa5: {  	s25 =	sand.u32 @p1 $0xFF, s25  }
0xa6: {  	s25 =	sshll.u32 @p1 s25, $0xE  }
0xa7: {  	s26 =	sor.u32 @p1 $0x200, s25  }
0xa8: {  	[tilespmem:s26], [sflag:$0x1] =	stream.indirect_vreg.gather @p1 [hbm4b:s2+s3], $0x80, v4, vm0, $0xb8;
	[tilespmem:$0x18200] =	vst v63  }
0xa9: {  	v3 =	vperm.xlane @p1 v3, v2;
	s26 =	sor.u32 @p1 $0xA00, s25  }
0xaa: {  	[tilespmem:s26], [sflag:$0x1] =	stream.indirect_vreg.gather @p1 [hbm4b:s8+s3], $0x80, v4, vm0, $0xb8;
	[tilespmem:$0x18200] =	vst v63  }
0xab: {  	v3 =	vadd.s32 @p1 v1, v3;
	s26 =	sor.u32 @p1 $0x1200, s25  }
0xac: {  	[tilespmem:s26], [sflag:$0x1] =	stream.indirect_vreg.gather @p1 [hbm4b:s9+s3], $0x80, v4, vm0, $0xb8;
	[tilespmem:$0x18200] =	vst v63  }
0xad: {  	s26 =	sor.u32 @p1 $0x1A00, s25  }
0xae: {  	[tilespmem:s26], [sflag:$0x1] =	stream.indirect_vreg.gather @p1 [hbm4b:s10+s3], $0x80, v4, vm0, $0xb8;
	[tilespmem:$0x18200] =	vst v63  }
0xaf: {  	s24 =	sadd.s32 $0x1, s24;
	s26 =	sor.u32 @p1 $0x2200, s25  }
0xb0: {  	[tilespmem:s26], [sflag:$0x1] =	stream.indirect_vreg.gather @p1 [hbm4b:s2+s3], $0x80, v3, vm0, $0xb8;
	[tilespmem:$0x18200] =	vst v63  }
0xb1: {  	p0 =	sne.s32 s24, $0x20;
	s26 =	sor.u32 @p1 $0x2A00, s25  }
0xb2: {  	[tilespmem:s26], [sflag:$0x1] =	stream.indirect_vreg.gather @p1 [hbm4b:s8+s3], $0x80, v3, vm0, $0xb8;
	[tilespmem:$0x18200] =	vst v63  }
.Ltmp0:
0xb3: {  	_ = 	snop;
	(pc) =	sbr.rel @p0 .LBB2_2-.Ltmp0, $4  }
0xb4: {  	s23 =	sadd.s32 $0x80000, s23;
	s26 =	sor.u32 @p1 $0x3200, s25  }
0xb5: {  	[tilespmem:s26], [sflag:$0x1] =	stream.indirect_vreg.gather @p1 [hbm4b:s9+s3], $0x80, v3, vm0, $0xb8;
	[tilespmem:$0x18200] =	vst v63  }
0xb6: {  	s22 =	sadd.s32 $0x10, s22;
	s21 =	sadd.s32 $0x200, s21;
	s25 =	sor.u32 @p1 $0x3A00, s25  }
0xb7: {  	[tilespmem:s25], [sflag:$0x1] =	stream.indirect_vreg.gather @p1 [hbm4b:s10+s3], $0x80, v3, vm0, $0xb8;
	[tilespmem:$0x18200] =	vst v63  }
0xb8: {  	s20 =	sadd.s32 $0x1, s20  }
0xb9: {  	p0 =	sne.s32 s20, s12  }
.Ltmp1:
0xba: {  	_ = 	snop;
	(pc) =	sbr.rel @p0 .LBB2_1-.Ltmp1, $4  }
0xbb: {  	_ = 	snop  }
0xbc: {  	_ =	swait.ge [sflag:s19], $0x4000  }
0xbd: {  	[sflag:s19] =	ssyncset.done $0x0  }
0xbe: {  	[sflag:s19] =	ssyncadd.s32 $0xFFFFC000  }
0xbf: {  	_ =	sfence.sel $0x180000  }
0xc0: {  	[bflag:$0x0] =	sbarrier.arrive $0xFFFF  }
0xc1: {  	_ =	strace $0x90000047  }
0xc2: {  	s0 =	stileid.u32;
	[bflag:$0x2] =	sbarrier.arrive $0xFFFF  }
0xc3: {  	p0 =	sne.s32 s0, $0x0;
	s0 =	rddreg [dreg:$0x3]  }
0xc4: {  	s0 =	sadd.s32 @!p0 $0x100000, s0  }
0xc5: {  	[sflag:s0] =	ssyncadd.tile.s32 @!p0 $0x1;
	_ =	shalt  }
.Lfunc_end2:
_tile_overlayer_lowered:
.L_overlay_start_2:
0xc6: {  	(tag) =	ssettag $0x2  }
0xc7: {  	s0 =	rddreg [dreg:$0x0];
	s2 =	stileid.u32  }
0xc8: {  	s1 =	rddreg [dreg:$0x1];
	p0 =	sne.s32 s2, $0x0  }
0xc9: {  	s3 =	rddreg [dreg:$0x2];
	[bflag:$0x3] =	sbarrier.arrive $0xFFFF;
	s2 =	simm.s32 @!p0 $0x1C03  }
0xca: {  	[timem:s3], [sflag:s2] =	dma.local @!p0 [hbm:s0], s1  }
0xcb: {  	s0 =	simm.s32 @!p0 $0x3  }
0xcc: {  	_ =	swait.ge @!p0 [sflag:s0], s1  }
0xcd: {  	s1 =	ssub.s32 @!p0 $0x0, s1;
	[sflag:s0] =	ssyncset.done @!p0 $0x0  }
0xce: {  	[sflag:s0] =	ssyncadd.s32 @!p0 s1  }
0xcf: {  	[bflag:$0x3] =	sbarrier.arrive $0xFFFF  }
0xd0: {  	_ =	shalt  }

</sc_bundles>
